<compile_context>
chip_gen: v7x
topology: tpu7x:2x2x1
jax: 0.10.2.dev20260603
libtpu: 0.0.44.dev20260713+nightly
codegen_flags: <defaults>
</compile_context>

<pallas_src>
import functools
import math

import jax
import jax.numpy as jnp
from jax import lax
from jax.experimental import pallas as pl
from jax.experimental.pallas import tpu as pltpu
from jax.experimental.pallas import tpu_sc as plsc

_N = 200
_B = 10
_STD0 = 0.62177
_STD1 = 2.0
_LOG_STD0 = math.log(_STD0)
_LOG_STD1 = math.log(_STD1)
_HALF_LOG_2PI = 0.5 * math.log(2.0 * math.pi)
_SCALE = float(_N) / float(_B)


def _body(x_hbm, m1_hbm, ind_hbm, data_hbm, out_hbm,
          x_s, m1_s, ind_s, data_s, out_s, sem):
    c1 = pltpu.make_async_copy(x_hbm, x_s, sem)
    c2 = pltpu.make_async_copy(m1_hbm, m1_s, sem)
    c3 = pltpu.make_async_copy(ind_hbm, ind_s, sem)
    c4 = pltpu.make_async_copy(data_hbm, data_s, sem)
    c1.start()
    c2.start()
    c3.start()
    c4.start()
    c1.wait()
    c2.wait()
    c3.wait()
    c4.wait()

    xs = x_s[0]
    m1s = m1_s[0]
    branch0 = m1s < 0.5
    inv_var = jnp.where(branch0, jnp.float32(1.0 / (_STD0 * _STD0)),
                        jnp.float32(1.0 / (_STD1 * _STD1)))
    const = jnp.where(
        branch0,
        jnp.float32(-_B * (_LOG_STD0 + _HALF_LOG_2PI)),
        jnp.float32(-_B * (_LOG_STD1 + _HALF_LOG_2PI)))

    ss = jnp.float32(0.0)
    for i in range(_B):
        d = data_s[ind_s[i]] - xs
        ss = ss + d * d
    ll = const - 0.5 * ss * inv_var
    prior_x = -0.5 * xs * xs - jnp.float32(_HALF_LOG_2PI)
    out_s[0] = prior_x + jnp.float32(_SCALE) * ll
    pltpu.sync_copy(out_s, out_hbm)


@jax.jit
def _log_joint(x, m1, ind, data):
    mesh = plsc.ScalarSubcoreMesh(axis_name="c", num_cores=1)
    return pl.kernel(
        _body,
        out_type=jax.ShapeDtypeStruct((1,), jnp.float32),
        mesh=mesh,
        compiler_params=pltpu.CompilerParams(
            needs_layout_passes=False,
            disable_bounds_checks=True,
            disable_semaphore_checks=True,
            skip_device_barrier=True,
        ),
        scratch_types=[
            pltpu.SMEM((1,), jnp.float32),
            pltpu.SMEM((1,), jnp.float32),
            pltpu.SMEM((_B,), jnp.int32),
            pltpu.SMEM((_N,), jnp.float32),
            pltpu.SMEM((1,), jnp.float32),
            pltpu.SemaphoreType.DMA,
        ],
    )(x, m1, ind, data)


def kernel(x, m1, ind, data):
    return _log_joint(x, m1, ind, data)[0]

# --- scband reference (transcript-rebuilt; emitter-appended) ---
"""Pipeline reference for scband-distinct-slps-33663953666869 (READ-ONLY COPY).

The authoritative reference and input builder live on the scoring server;
editing this copy changes nothing except your own understanding.
"""

import jax, jax.numpy as jnp
import numpy as np

N_SAMPLES = 200
BATCH_SIZE = 10

def setup_inputs(seed: int = 0) -> dict:
    key = jax.random.key(seed)
    k1, k2, k3, k4 = jax.random.split(key, 4)
    x = jax.random.normal(k1, (1,), dtype=jnp.float32)
    m1 = jax.random.uniform(k2, (1,), dtype=jnp.float32)
    ind = jax.random.randint(k3, (BATCH_SIZE,), 0, N_SAMPLES, dtype=jnp.int64 if jax.config.jax_enable_x64 else jnp.int32).astype(jnp.int32)
    data = jax.random.normal(k4, (N_SAMPLES,), dtype=jnp.float32)
    return {"x": x, "m1": m1, "ind": ind, "data": data}

def _normal_logpdf(y, mu, std):
    return -0.5 * ((y - mu) / std) ** 2 - jnp.log(std) - 0.5 * jnp.log(2.0 * jnp.pi)

def reference(x, m1, ind, data):
    # Faithful translation of the pyro model's log-joint under one trace:
    #   x ~ Normal(0,1); m1 ~ Uniform(0,1);
    #   branch on m1 < 0.5 selects std in {0.62177, 2.0};
    #   subsampled plate of size 10 over len(data)=200 with obs batch ~ Normal(x, std),
    #   scaled by len(data)/batch_size per pyro plate subsampling semantics.
    batch = jnp.take(data, ind, axis=0)  # gather = subsample
    std = jnp.where(m1[0] < 0.5, jnp.float32(0.62177), jnp.float32(2.0))
    ll = jnp.sum(_normal_logpdf(batch, x[0], std))
    scale = jnp.float32(data.shape[0] / ind.shape[0])
    prior_x = -0.5 * x[0] ** 2 - 0.5 * jnp.log(2.0 * jnp.pi)  # Normal(0,1) log-prob
    prior_m1 = jnp.float32(0.0)  # Uniform(0,1) log-prob on support
    log_joint = prior_x + prior_m1 + scale * ll
    return log_joint

if __name__ == "__main__":
    import jax
    _d = setup_inputs()
    print(jax.jit(kernel)(*tuple(_d.values())))

</pallas_src>

<mosaic_0001>
#map = affine_map<(d0) -> (0)>
module attributes {stable_mosaic.version = 14 : i64} {
  func.func @_body(%arg0: i32, %arg1: memref<1xf32, #tpu.memory_space<hbm>>, %arg2: memref<1xf32, #tpu.memory_space<hbm>>, %arg3: memref<10xi32, #tpu.memory_space<hbm>>, %arg4: memref<200xf32, #tpu.memory_space<hbm>>, %arg5: memref<1xf32, #tpu.memory_space<hbm>>, %arg6: memref<1xf32, #tpu.memory_space<smem>>, %arg7: memref<1xf32, #tpu.memory_space<smem>>, %arg8: memref<10xi32, #tpu.memory_space<smem>>, %arg9: memref<200xf32, #tpu.memory_space<smem>>, %arg10: memref<1xf32, #tpu.memory_space<smem>>, %arg11: memref<!tpu.dma_semaphore, #tpu.memory_space<semaphore_mem>>) attributes {dimension_semantics = [#tpu.dimension_semantics<core_parallel>], iteration_bounds = array<i64: 1>, scalar_prefetch = 0 : i64, scratch_operands = 6 : i64, tpu.core_type = #tpu.core_type<sc_scalar_subcore>, window_params = [{transform_indices = #map}, {transform_indices = #map}, {transform_indices = #map}, {transform_indices = #map}, {transform_indices = #map}]} {
    tpu.enqueue_dma source(%arg1 : memref<1xf32, #tpu.memory_space<hbm>>) target(%arg6 : memref<1xf32, #tpu.memory_space<smem>>) target_semaphore(%arg11 : memref<!tpu.dma_semaphore, #tpu.memory_space<semaphore_mem>>)
    tpu.enqueue_dma source(%arg2 : memref<1xf32, #tpu.memory_space<hbm>>) target(%arg7 : memref<1xf32, #tpu.memory_space<smem>>) target_semaphore(%arg11 : memref<!tpu.dma_semaphore, #tpu.memory_space<semaphore_mem>>)
    tpu.enqueue_dma source(%arg3 : memref<10xi32, #tpu.memory_space<hbm>>) target(%arg8 : memref<10xi32, #tpu.memory_space<smem>>) target_semaphore(%arg11 : memref<!tpu.dma_semaphore, #tpu.memory_space<semaphore_mem>>)
    tpu.enqueue_dma source(%arg4 : memref<200xf32, #tpu.memory_space<hbm>>) target(%arg9 : memref<200xf32, #tpu.memory_space<smem>>) target_semaphore(%arg11 : memref<!tpu.dma_semaphore, #tpu.memory_space<semaphore_mem>>)
    tpu.wait_dma2 semaphore(%arg11 : memref<!tpu.dma_semaphore, #tpu.memory_space<semaphore_mem>>) src(%arg1 : memref<1xf32, #tpu.memory_space<hbm>>) dst(%arg6 : memref<1xf32, #tpu.memory_space<smem>>)
    tpu.wait_dma2 semaphore(%arg11 : memref<!tpu.dma_semaphore, #tpu.memory_space<semaphore_mem>>) src(%arg2 : memref<1xf32, #tpu.memory_space<hbm>>) dst(%arg7 : memref<1xf32, #tpu.memory_space<smem>>)
    tpu.wait_dma2 semaphore(%arg11 : memref<!tpu.dma_semaphore, #tpu.memory_space<semaphore_mem>>) src(%arg3 : memref<10xi32, #tpu.memory_space<hbm>>) dst(%arg8 : memref<10xi32, #tpu.memory_space<smem>>)
    tpu.wait_dma2 semaphore(%arg11 : memref<!tpu.dma_semaphore, #tpu.memory_space<semaphore_mem>>) src(%arg4 : memref<200xf32, #tpu.memory_space<hbm>>) dst(%arg9 : memref<200xf32, #tpu.memory_space<smem>>)
    %get3A = arith.constant 0 : i32
    %get3A_0 = arith.index_cast %get3A : i32 to index
    %get3A_1 = memref.load %arg6[%get3A_0] : memref<1xf32, #tpu.memory_space<smem>>
    %get3A_2 = arith.constant 0 : i32
    %get3A_3 = arith.index_cast %get3A_2 : i32 to index
    %get3A_4 = memref.load %arg7[%get3A_3] : memref<1xf32, #tpu.memory_space<smem>>
    %lt3A = arith.constant 5.000000e-01 : f32
    %lt3A_5 = arith.cmpf olt, %get3A_4, %lt3A : f32
    %jit3A = arith.constant 2.58666658 : f32
    %jit3A_6 = arith.constant 2.500000e-01 : f32
    %select_n3A = arith.select %lt3A_5, %jit3A, %jit3A_6 : f32
    %jit3A_7 = arith.constant -4.43753481 : f32
    %jit3A_8 = arith.constant -16.1208572 : f32
    %select_n3A_9 = arith.select %lt3A_5, %jit3A_7, %jit3A_8 : f32
    %get3A_10 = arith.constant 0 : i32
    %get3A_11 = arith.index_cast %get3A_10 : i32 to index
    %get3A_12 = memref.load %arg8[%get3A_11] : memref<10xi32, #tpu.memory_space<smem>>
    %get3A_13 = arith.index_cast %get3A_12 : i32 to index
    %get3A_14 = memref.load %arg9[%get3A_13] : memref<200xf32, #tpu.memory_space<smem>>
    %sub3A = arith.subf %get3A_14, %get3A_1 : f32
    %mul3A = arith.mulf %sub3A, %sub3A : f32
    %add3A = arith.constant 0.000000e+00 : f32
    %add3A_15 = arith.addf %add3A, %mul3A : f32
    %get3A_16 = arith.constant 1 : i32
    %get3A_17 = arith.index_cast %get3A_16 : i32 to index
    %get3A_18 = memref.load %arg8[%get3A_17] : memref<10xi32, #tpu.memory_space<smem>>
    %get3A_19 = arith.index_cast %get3A_18 : i32 to index
    %get3A_20 = memref.load %arg9[%get3A_19] : memref<200xf32, #tpu.memory_space<smem>>
    %sub3A_21 = arith.subf %get3A_20, %get3A_1 : f32
    %mul3A_22 = arith.mulf %sub3A_21, %sub3A_21 : f32
    %add3A_23 = arith.addf %add3A_15, %mul3A_22 : f32
    %get3A_24 = arith.constant 2 : i32
    %get3A_25 = arith.index_cast %get3A_24 : i32 to index
    %get3A_26 = memref.load %arg8[%get3A_25] : memref<10xi32, #tpu.memory_space<smem>>
    %get3A_27 = arith.index_cast %get3A_26 : i32 to index
    %get3A_28 = memref.load %arg9[%get3A_27] : memref<200xf32, #tpu.memory_space<smem>>
    %sub3A_29 = arith.subf %get3A_28, %get3A_1 : f32
    %mul3A_30 = arith.mulf %sub3A_29, %sub3A_29 : f32
    %add3A_31 = arith.addf %add3A_23, %mul3A_30 : f32
    %get3A_32 = arith.constant 3 : i32
    %get3A_33 = arith.index_cast %get3A_32 : i32 to index
    %get3A_34 = memref.load %arg8[%get3A_33] : memref<10xi32, #tpu.memory_space<smem>>
    %get3A_35 = arith.index_cast %get3A_34 : i32 to index
    %get3A_36 = memref.load %arg9[%get3A_35] : memref<200xf32, #tpu.memory_space<smem>>
    %sub3A_37 = arith.subf %get3A_36, %get3A_1 : f32
    %mul3A_38 = arith.mulf %sub3A_37, %sub3A_37 : f32
    %add3A_39 = arith.addf %add3A_31, %mul3A_38 : f32
    %get3A_40 = arith.constant 4 : i32
    %get3A_41 = arith.index_cast %get3A_40 : i32 to index
    %get3A_42 = memref.load %arg8[%get3A_41] : memref<10xi32, #tpu.memory_space<smem>>
    %get3A_43 = arith.index_cast %get3A_42 : i32 to index
    %get3A_44 = memref.load %arg9[%get3A_43] : memref<200xf32, #tpu.memory_space<smem>>
    %sub3A_45 = arith.subf %get3A_44, %get3A_1 : f32
    %mul3A_46 = arith.mulf %sub3A_45, %sub3A_45 : f32
    %add3A_47 = arith.addf %add3A_39, %mul3A_46 : f32
    %get3A_48 = arith.constant 5 : i32
    %get3A_49 = arith.index_cast %get3A_48 : i32 to index
    %get3A_50 = memref.load %arg8[%get3A_49] : memref<10xi32, #tpu.memory_space<smem>>
    %get3A_51 = arith.index_cast %get3A_50 : i32 to index
    %get3A_52 = memref.load %arg9[%get3A_51] : memref<200xf32, #tpu.memory_space<smem>>
    %sub3A_53 = arith.subf %get3A_52, %get3A_1 : f32
    %mul3A_54 = arith.mulf %sub3A_53, %sub3A_53 : f32
    %add3A_55 = arith.addf %add3A_47, %mul3A_54 : f32
    %get3A_56 = arith.constant 6 : i32
    %get3A_57 = arith.index_cast %get3A_56 : i32 to index
    %get3A_58 = memref.load %arg8[%get3A_57] : memref<10xi32, #tpu.memory_space<smem>>
    %get3A_59 = arith.index_cast %get3A_58 : i32 to index
    %get3A_60 = memref.load %arg9[%get3A_59] : memref<200xf32, #tpu.memory_space<smem>>
    %sub3A_61 = arith.subf %get3A_60, %get3A_1 : f32
    %mul3A_62 = arith.mulf %sub3A_61, %sub3A_61 : f32
    %add3A_63 = arith.addf %add3A_55, %mul3A_62 : f32
    %get3A_64 = arith.constant 7 : i32
    %get3A_65 = arith.index_cast %get3A_64 : i32 to index
    %get3A_66 = memref.load %arg8[%get3A_65] : memref<10xi32, #tpu.memory_space<smem>>
    %get3A_67 = arith.index_cast %get3A_66 : i32 to index
    %get3A_68 = memref.load %arg9[%get3A_67] : memref<200xf32, #tpu.memory_space<smem>>
    %sub3A_69 = arith.subf %get3A_68, %get3A_1 : f32
    %mul3A_70 = arith.mulf %sub3A_69, %sub3A_69 : f32
    %add3A_71 = arith.addf %add3A_63, %mul3A_70 : f32
    %get3A_72 = arith.constant 8 : i32
    %get3A_73 = arith.index_cast %get3A_72 : i32 to index
    %get3A_74 = memref.load %arg8[%get3A_73] : memref<10xi32, #tpu.memory_space<smem>>
    %get3A_75 = arith.index_cast %get3A_74 : i32 to index
    %get3A_76 = memref.load %arg9[%get3A_75] : memref<200xf32, #tpu.memory_space<smem>>
    %sub3A_77 = arith.subf %get3A_76, %get3A_1 : f32
    %mul3A_78 = arith.mulf %sub3A_77, %sub3A_77 : f32
    %add3A_79 = arith.addf %add3A_71, %mul3A_78 : f32
    %get3A_80 = arith.constant 9 : i32
    %get3A_81 = arith.index_cast %get3A_80 : i32 to index
    %get3A_82 = memref.load %arg8[%get3A_81] : memref<10xi32, #tpu.memory_space<smem>>
    %get3A_83 = arith.index_cast %get3A_82 : i32 to index
    %get3A_84 = memref.load %arg9[%get3A_83] : memref<200xf32, #tpu.memory_space<smem>>
    %sub3A_85 = arith.subf %get3A_84, %get3A_1 : f32
    %mul3A_86 = arith.mulf %sub3A_85, %sub3A_85 : f32
    %add3A_87 = arith.addf %add3A_79, %mul3A_86 : f32
    %mul3A_88 = arith.constant 5.000000e-01 : f32
    %mul3A_89 = arith.mulf %mul3A_88, %add3A_87 : f32
    %mul3A_90 = arith.mulf %mul3A_89, %select_n3A : f32
    %sub3A_91 = arith.subf %select_n3A_9, %mul3A_90 : f32
    %mul3A_92 = arith.constant -5.000000e-01 : f32
    %mul3A_93 = arith.mulf %mul3A_92, %get3A_1 : f32
    %mul3A_94 = arith.mulf %mul3A_93, %get3A_1 : f32
    %sub3A_95 = arith.constant 0.918938517 : f32
    %sub3A_96 = arith.subf %mul3A_94, %sub3A_95 : f32
    %mul3A_97 = arith.constant 2.000000e+01 : f32
    %mul3A_98 = arith.mulf %mul3A_97, %sub3A_91 : f32
    %add3A_99 = arith.addf %sub3A_96, %mul3A_98 : f32
    %swap3A = arith.constant 0 : i32
    %swap3A_100 = arith.index_cast %swap3A : i32 to index
    %swap3A_101 = memref.load %arg10[%swap3A_100] : memref<1xf32, #tpu.memory_space<smem>>
    memref.store %add3A_99, %arg10[%swap3A_100] : memref<1xf32, #tpu.memory_space<smem>>
    "tpu.region"() ({
      %run_scoped3A = tpu.sem_alloc : memref<!tpu.dma_semaphore, #tpu.memory_space<semaphore_mem>>
      tpu.enqueue_dma source(%arg10 : memref<1xf32, #tpu.memory_space<smem>>) target(%arg5 : memref<1xf32, #tpu.memory_space<hbm>>) target_semaphore(%run_scoped3A : memref<!tpu.dma_semaphore, #tpu.memory_space<semaphore_mem>>)
      tpu.wait_dma2 semaphore(%run_scoped3A : memref<!tpu.dma_semaphore, #tpu.memory_space<semaphore_mem>>) src(%arg10 : memref<1xf32, #tpu.memory_space<smem>>) dst(%arg5 : memref<1xf32, #tpu.memory_space<hbm>>)
      tpu.yield
    }) : () -> ()
    return
  }
}

</mosaic_0001>

<sc_bundles>
// kernel: _log_joint.3.cloned.1.call-start
scs
__scs_entry_jumppad:
0x0: {  	(pc) =	sbr.rel $0x88, $3  }
0x1: {  	(tag) =	ssettag $0x0;
	lr =	simm.s32 $0x1  }
0x2: {  	[smem:$0x3F9D] =	sst lr;
	_ =	strace $0xD0000000  }
0x3: {  	_ = 	snop  }
0x4: {  	_ = 	snop  }
0x5: {  	_ = 	snop  }
0x6: {  	_ = 	snop  }
0x7: {  	_ = 	snop  }
__scs_overlays_trampoline_lowered:
0x8: {  	[smem:$0x3FAC] =	sst s0  }
0x9: {  	[smem:$0x3FAD] =	sst s1  }
0xa: {  	[smem:$0x3FAE] =	sst s2  }
0xb: {  	[smem:$0x3FAF] =	sst s3  }
0xc: {  	[smem:$0x3FB0] =	sst s4  }
0xd: {  	[smem:$0x3FB1] =	sst s5  }
0xe: {  	[smem:$0x3FB2] =	sst s6  }
0xf: {  	[smem:$0x3FB3] =	sst s7  }
0x10: {  	[smem:$0x3FB4] =	sst s8  }
0x11: {  	[smem:$0x3FB5] =	sst s9;
	s0 =	simm.s32 @!p0 $0x0  }
0x12: {  	s1 =	sld [smem:$0x3F9B];
	s0 =	simm.s32 @p0 $0x1  }
0x13: {  	[smem:$0x3FB6] =	sst s0;
	s0 =	simm.s32 @!p1 $0x0  }
0x14: {  	s2 =	sld [smem:$0x3F9A];
	s0 =	simm.s32 @p1 $0x1  }
0x15: {  	[smem:$0x3FB7] =	sst s0;
	s0 =	simm.s32 @!p2 $0x0  }
0x16: {  	s3 =	sld [smem:$0x3FDB];
	s0 =	simm.s32 @p2 $0x1  }
0x17: {  	s4 =	simm.s32 $0x1BF5;
	[smem:$0x3FB9] =	sst s0  }
0x18: {  	s0 =	sld [smem:$0x3F9C];
	_ =	swait.ge [sflag:s4], $0x0  }
0x19: {  	s7 =	sld [smem:$0x3F9D]  }
0x1a: {  	s8 =	sadd.s32 $0xFFFFE003, lr  }
0x1b: {  	s9 =	sadd.s32 $0xFFFFFEF7, lr;
	s5 =	simm.s32 $0xFFFFFFFF;
	p2 =	slt.u32 s8, $0xFFFFF086  }
0x1c: {  	p1 =	slt.u32 s9, $0xF7A;
	s5 =	simm.s32 @!p2 $0x0  }
0x1d: {  	s5 =	simm.s32 @p1 $0x1;
	p0 =	seq.s32 s7, s2  }
0x1e: {  	s7 =	smul.u32 @!p0 $0xF7A, s2;
	p2 =	seq.s32 @!p0 s5, $0x0  }
0x1f: {  	s9 =	smul.u32 $0xF7A, s1;
	s8 =	simm.s32 @!p0 $0x1BF5;
	p2 =	por !p2, p0  }
0x20: {  	[sflag:s8] =	ssyncset.s32 @!p0 $0xFFFFF086;
	s6 =	sadd.s32 @!p0 s3, s7;
	s7 =	simm.s32 @!p0 $0x108  }
0x21: {  	s3 =	sadd.s32 s3, s9;
	s6 =	sadd.s32 @!p0 $0x88, s6;
	s7 =	simm.s32 @p2 $0x1082  }
0x22: {  	[simem:s7], [sflag:s8] =	dma.local @!p0 [hbm:s6], $0xF7A  }
0x23: {  	s9 =	sor.u32 $0xD0000000, s2;
	s6 =	simm.s32 $0x108;
	_ =	swait.ge @!p0 [sflag:s8], $0x0  }
0x24: {  	s3 =	sadd.s32 $0x88, s3;
	s6 =	simm.s32 @!p1 $0x1082;
	[sflag:s4] =	ssyncset.s32 $0xFFFFF086  }
0x25: {  	[simem:s6], [sflag:s4] =	dma.local [hbm:s3], $0xF7A  }
0x26: {  	[smem:$0x3F9D] =	sst s1;
	(tag) =	ssettag s2;
	_ =	strace s9  }
0x27: {  	s1 =	sld [smem:$0x3FAD]  }
0x28: {  	s2 =	sld [smem:$0x3FAE]  }
0x29: {  	s4 =	sld [smem:$0x3FB0]  }
0x2a: {  	p0 =	seq.s32 s5, $0x0;
	s5 =	sld [smem:$0x3FB1]  }
0x2b: {  	s6 =	sld [smem:$0x3FB2]  }
0x2c: {  	s7 =	sld [smem:$0x3FB3]  }
0x2d: {  	s3 =	simm.s32 $0x108;
	s8 =	sld [smem:$0x3FB4]  }
0x2e: {  	s3 =	simm.s32 @!p0 $0x1082;
	s9 =	sld [smem:$0x3FB5]  }
0x2f: {  	lr =	sadd.s32 s0, s3;
	s0 =	sld [smem:$0x3FAC]  }
0x30: {  	s3 =	sld [smem:$0x3FAF]  }
0x31: {  	[smem:$0x3FB8] =	sst s10  }
0x32: {  	s10 =	sld [smem:$0x3FB6];
	_ =	sdelay $0x3  }
0x33: {  	p0 =	seq.s32 s10, $0x1;
	s10 =	sld [smem:$0x3FB8];
	_ =	sdelay $0x3  }
0x34: {  	[smem:$0x3FB8] =	sst s10  }
0x35: {  	s10 =	sld [smem:$0x3FB7];
	_ =	sdelay $0x3  }
0x36: {  	p1 =	seq.s32 s10, $0x1;
	s10 =	sld [smem:$0x3FB8];
	_ =	sdelay $0x3  }
0x37: {  	[smem:$0x3FB8] =	sst s10  }
0x38: {  	s10 =	sld [smem:$0x3FB9]  }
0x39: {  	_ = 	snop;
	(pc) =	sbr.ind lr, $3  }
0x3a: {  	_ = 	snop  }
0x3b: {  	_ = 	snop  }
0x3c: {  	p2 =	seq.s32 s10, $0x1;
	s10 =	sld [smem:$0x3FB8]  }
0x3d: {  	_ =	shalt  }
0x3e: {  	_ =	shalt  }
0x3f: {  	_ =	shalt  }
0x40: {  	_ =	shalt  }
0x41: {  	_ =	shalt  }
0x42: {  	_ =	shalt  }
0x43: {  	_ =	shalt  }
0x44: {  	_ =	shalt  }
0x45: {  	_ =	shalt  }
0x46: {  	_ =	shalt  }
0x47: {  	_ =	shalt  }
0x48: {  	_ =	shalt  }
0x49: {  	_ =	shalt  }
0x4a: {  	_ =	shalt  }
0x4b: {  	_ =	shalt  }
0x4c: {  	_ =	shalt  }
0x4d: {  	_ =	shalt  }
0x4e: {  	_ =	shalt  }
0x4f: {  	_ =	shalt  }
0x50: {  	_ =	shalt  }
0x51: {  	_ =	shalt  }
0x52: {  	_ =	shalt  }
0x53: {  	_ =	shalt  }
0x54: {  	_ =	shalt  }
0x55: {  	_ =	shalt  }
0x56: {  	_ =	shalt  }
0x57: {  	_ =	shalt  }
0x58: {  	_ =	shalt  }
0x59: {  	_ =	shalt  }
0x5a: {  	_ =	shalt  }
0x5b: {  	_ =	shalt  }
0x5c: {  	_ =	shalt  }
0x5d: {  	_ =	shalt  }
0x5e: {  	_ =	shalt  }
0x5f: {  	_ =	shalt  }
0x60: {  	_ =	shalt  }
0x61: {  	_ =	shalt  }
0x62: {  	_ =	shalt  }
0x63: {  	_ =	shalt  }
0x64: {  	_ =	shalt  }
0x65: {  	_ =	shalt  }
0x66: {  	_ =	shalt  }
0x67: {  	_ =	shalt  }
0x68: {  	_ =	shalt  }
0x69: {  	_ =	shalt  }
0x6a: {  	_ =	shalt  }
0x6b: {  	_ =	shalt  }
0x6c: {  	_ =	shalt  }
0x6d: {  	_ =	shalt  }
0x6e: {  	_ =	shalt  }
0x6f: {  	_ =	shalt  }
0x70: {  	_ =	shalt  }
0x71: {  	_ =	shalt  }
0x72: {  	_ =	shalt  }
0x73: {  	_ =	shalt  }
0x74: {  	_ =	shalt  }
0x75: {  	_ =	shalt  }
0x76: {  	_ =	shalt  }
0x77: {  	_ =	shalt  }
0x78: {  	_ =	shalt  }
0x79: {  	_ =	shalt  }
0x7a: {  	_ =	shalt  }
0x7b: {  	_ =	shalt  }
0x7c: {  	_ =	shalt  }
0x7d: {  	_ =	shalt  }
0x7e: {  	_ =	shalt  }
0x7f: {  	_ =	shalt  }
0x80: {  	_ =	shalt  }
0x81: {  	_ =	shalt  }
0x82: {  	_ =	shalt  }
0x83: {  	_ =	shalt  }
0x84: {  	_ =	shalt  }
0x85: {  	_ =	shalt  }
0x86: {  	_ =	shalt  }
0x87: {  	_ =	shalt  }
.Lfunc_end0:
.L_simem_size_0:
called_computation_lowered:
.L_overlay_start_0:
0x88: {  	s0 =	sld [smem:$0x3FD9]  }
0x89: {  	s1 =	sld [smem:$0x3FFE];
	_ =	sdelay $0x3  }
0x8a: {  	s0 =	sadd.s32 s1, s0  }
0x8b: {  	[smem:$0x3FC4] =	sst s0  }
0x8c: {  	_ = 	snop  }
0x8d: {  	s20 =	sld [smem:$0x3FC9]  }
0x8e: {  	s2 =	sld [smem:$0x3FC8]  }
0x8f: {  	s3 =	sld [smem:$0x3FC7]  }
0x90: {  	s4 =	sld [smem:$0x3FC6]  }
0x91: {  	s0 =	sld [smem:$0x3FD0];
	(tm) =	ssettm $0x1  }
0x92: {  	s5 =	sld [smem:$0x3FFB];
	_ =	sdelay $0x3  }
0x93: {  	_ =	strace s5  }
0x94: {  	s5 =	sld [smem:$0x3FFC];
	_ =	sdelay $0x3  }
0x95: {  	_ =	strace s5  }
0x96: {  	s5 =	sld [smem:$0x3FFD];
	_ =	sdelay $0x3  }
0x97: {  	_ =	strace s5  }
0x98: {  	s21 =	simm.s32 $0x1B8B;
	_ =	strace $0x8FFFFFFF  }
0x99: {  	_ =	swait.ge [sflag:s21], $0x1  }
0x9a: {  	[sflag:s21] =	ssyncset.done $0x0  }
0x9b: {  	s22 =	simm.s32 $0x1B8E;
	s23 =	simm.s32 $0x9;
	[sflag:s21] =	ssyncadd.s32 $0xFFFFFFFF  }
0x9c: {  	s6 =	simm.s32 $0x10;
	s24 =	simm.s32 $0x90;
	[smem:$0x3FD2] =	sst s22  }
0x9d: {  	s25 =	simm.s32 $0x110;
	s26 =	simm.s32 $0x190;
	_ =	strace $0x80000046  }
0x9e: {  	[smem:s6], [sflag:s23] =	dma.local [hbm:s20], $0x10  }
0x9f: {  	[smem:s24], [sflag:s23] =	dma.local [hbm:s2], $0x10  }
0xa0: {  	[smem:s25], [sflag:s23] =	dma.local [hbm:s3], $0x10  }
0xa1: {  	[smem:s26], [sflag:s23] =	dma.local [hbm:s4], $0x20  }
0xa2: {  	_ =	swait.ge [sflag:s23], $0x10  }
0xa3: {  	[sflag:s23] =	ssyncset.done $0x0  }
0xa4: {  	[sflag:s23] =	ssyncadd.s32 $0xFFFFFFF0;
	_ =	sdelay $0x2  }
0xa5: {  	_ =	swait.ge [sflag:s23], $0x10  }
0xa6: {  	[sflag:s23] =	ssyncset.done $0x0  }
0xa7: {  	[sflag:s23] =	ssyncadd.s32 $0xFFFFFFF0;
	_ =	sdelay $0x2  }
0xa8: {  	_ =	swait.ge [sflag:s23], $0x10  }
0xa9: {  	[sflag:s23] =	ssyncset.done $0x0  }
0xaa: {  	[sflag:s23] =	ssyncadd.s32 $0xFFFFFFF0;
	_ =	sdelay $0x2  }
0xab: {  	_ =	swait.ge [sflag:s23], $0x20  }
0xac: {  	[sflag:s23] =	ssyncset.done $0x0  }
0xad: {  	[sflag:s23] =	ssyncadd.s32 $0xFFFFFFE0  }
0xae: {  	s28 =	sld [smem:$0x110]  }
0xaf: {  	s29 =	sld [smem:$0x111]  }
0xb0: {  	s30 =	sld [smem:$0x10]  }
0xb1: {  	s31 =	sld [smem:$0x112]  }
0xb2: {  	s5 =	sld [smem:$0x113]  }
0xb3: {  	s6 =	sld [smem:$0x114]  }
0xb4: {  	s7 =	sld [smem:$0x115]  }
0xb5: {  	s11 =	sld [smem:$0x116]  }
0xb6: {  	s13 =	sld [smem:$0x117]  }
0xb7: {  	s15 =	sld [smem:$0x118]  }
0xb8: {  	s1 =	sld [smem:s28+$0x190]  }
0xb9: {  	s2 =	sld [smem:s29+$0x190]  }
0xba: {  	s16 =	sld [smem:$0x119]  }
0xbb: {  	s5 =	sld [smem:s5+$0x190]  }
0xbc: {  	s1 =	ssub.f32 s1, s30  }
0xbd: {  	s2 =	ssub.f32 s2, s30  }
0xbe: {  	s4 =	sld [smem:s31+$0x190];
	s1 =	smul.f32 s1, s1  }
0xbf: {  	s14 =	sld [smem:s11+$0x190];
	s2 =	smul.f32 s2, s2  }
0xc0: {  	s5 =	ssub.f32 s5, s30  }
0xc1: {  	s1 =	sadd.f32 s2, s1  }
0xc2: {  	s2 =	ssub.f32 s4, s30  }
0xc3: {  	s4 =	sld [smem:s6+$0x190]  }
0xc4: {  	s6 =	sld [smem:s7+$0x190];
	s2 =	smul.f32 s2, s2  }
0xc5: {  	s8 =	smul.f32 s5, s5;
	s5 =	sld [smem:s15+$0x190]  }
0xc6: {  	s1 =	sadd.f32 s2, s1  }
0xc7: {  	s4 =	ssub.f32 s4, s30  }
0xc8: {  	s10 =	ssub.f32 s6, s30  }
0xc9: {  	s2 =	ssub.f32 s14, s30  }
0xca: {  	s1 =	sadd.f32 s8, s1;
	s9 =	smul.f32 s4, s4  }
0xcb: {  	s4 =	sld [smem:s13+$0x190]  }
0xcc: {  	s12 =	smul.f32 s10, s10;
	s1 =	sadd.f32 s9, s1  }
0xcd: {  	s6 =	sld [smem:s16+$0x190]  }
0xce: {  	s1 =	sadd.f32 s12, s1  }
0xcf: {  	s2 =	smul.f32 s2, s2;
	s4 =	ssub.f32 s4, s30  }
0xd0: {  	s18 =	ssub.f32 s5, s30  }
0xd1: {  	s1 =	sadd.f32 s2, s1;
	s17 =	smul.f32 s4, s4  }
0xd2: {  	s20 =	ssub.f32 s6, s30  }
0xd3: {  	s19 =	smul.f32 s18, s18;
	s1 =	sadd.f32 s17, s1  }
0xd4: {  	s21 =	sld [smem:$0x90]  }
0xd5: {  	s22 =	smul.f32 s20, s20;
	s1 =	sadd.f32 s19, s1  }
0xd6: {  	_ = 	snop  }
0xd7: {  	s1 =	sadd.f32 s22, s1  }
0xd8: {  	p0 =	slt.f32 s21, $5.000000000e-01  }
0xd9: {  	s2 =	simm.f32 $2.586666580e+00;
	s1 =	smul.f32 $5.000000000e-01, s1  }
0xda: {  	s23 =	smul.f32 $5.000000000e-01, s30;
	s2 =	simm.s32 @!p0 $0x3E800000  }
0xdb: {  	s1 =	smul.f32 s1, s2;
	s2 =	simm.f32 $-4.437534810e+00  }
0xdc: {  	s2 =	simm.s32 @!p0 $0xC180F784  }
0xdd: {  	s24 =	smul.f32 s23, s30;
	s1 =	ssub.f32 s2, s1  }
0xde: {  	_ = 	snop  }
0xdf: {  	s2 =	ssub.f32 $-9.189385170e-01, s24;
	s1 =	smul.f32 $2.000000000e+01, s1  }
0xe0: {  	_ = 	snop  }
0xe1: {  	s1 =	sadd.f32 s1, s2;
	_ =	sdelay $0x1  }
0xe2: {  	s25 =	simm.s32 $0x290;
	s26 =	simm.s32 $0xA;
	[smem:$0x290] =	sst s1  }
0xe3: {  	[hbm:s0], [sflag:s26] =	dma.local [smem:s25], $0x10  }
0xe4: {  	_ =	swait.ge [sflag:s26], $0x10  }
0xe5: {  	[sflag:s26] =	ssyncset.done $0x0  }
0xe6: {  	[sflag:s26] =	ssyncadd.s32 $0xFFFFFFF0  }
0xe7: {  	_ =	strace $0x90000046  }
0xe8: {  	_ =	sfence  }
0xe9: {  	s28 =	sld [smem:$0x0];
	_ =	sdelay $0x1  }
0xea: {  	s29 =	srdreg.scid  }
0xeb: {  	s31 =	sshrl.u32 s29, $0x2;
	s30 =	sshll.u32 s29, $0xD  }
0xec: {  	s2 =	sand.u32 $0x4000, s30;
	s1 =	sand.u32 $0x1, s29;
	s0 =	sadd.s32 s31, s28  }
0xed: {  	s1 =	sor.u32 s2, s1;
	s0 =	sshll.u32 s0, $0x11  }
0xee: {  	s0 =	sor.u32 s0, s1  }
0xef: {  	s0 =	sadd.s32 $0x8F2B, s0;
	(pc) =	sbr.abs _section_cstart, $3  }
0xf0: {  	[sflag:s0] =	ssyncadd.remote.s32 $0x1  }
0xf1: {  	_ =	strace $0x9FFFFFFF  }
0xf2: {  	(tm) =	ssettm $0x7FFFFFFF  }
0xf3: {  	_ =	shalt  }

</sc_bundles>
